<compile_context>
chip_gen: v7x
topology: tpu7x:2x2x1
jax: 0.10.2.dev20260603
libtpu: 0.0.44.dev20260713+nightly
codegen_flags: <defaults>
</compile_context>

<pallas_src>
import jax
import jax.numpy as jnp
from jax import lax
from jax.experimental import pallas as pl
from jax.experimental.pallas import tpu as pltpu
from jax.experimental.pallas import tpu_sc as plsc

_DEPTH = 1000
_N = 26624
_LANES = 1024
_NSUB = _N * _DEPTH // _LANES
_SUB = 1000
_GRID = _NSUB // _SUB
_SCW = 25
_CHUNKS = _NSUB // 16 // _SCW
_WWORDS = _CHUNKS * 16


def _sc_index_stage(idx_hbm, ta_hbm, tb_hbm, tc_hbm, idx_v, bufa, bufb,
                    bufc, sem):
    wid = lax.axis_index("s") * 2 + lax.axis_index("c")

    @pl.when(wid < _SCW)
    def _():
        pltpu.async_copy(idx_hbm, idx_v, sem).wait()
        iota = lax.iota(jnp.int32, 16)
        base = wid * _WWORDS

        def chunk(j, _):
            sg = base + j * 16 + iota
            i = jax.lax.shift_right_logical(sg * 33555, 25)
            sl = sg - 1000 * i
            x = sl * 24
            c0 = jax.lax.shift_right_logical(x * 8389, 23)
            lstar = 1000 * (c0 + 1) - x
            qa = sg + 24 * i + c0
            qb = jnp.minimum(qa + 1, _N - 1)
            qc = jnp.minimum(qa + 2, _N - 1)
            ia = plsc.load_gather(idx_v, [qa])
            ib = plsc.load_gather(idx_v, [qb])
            ic = plsc.load_gather(idx_v, [qc])
            bufa[pl.ds(j * 16, 16)] = ia + lstar - 1000
            bufb[pl.ds(j * 16, 16)] = ib + lstar
            bufc[pl.ds(j * 16, 16)] = ic + lstar + 1000
            return 0

        lax.fori_loop(0, _CHUNKS, chunk, 0)
        pltpu.async_copy(bufa, ta_hbm.at[pl.ds(base, _WWORDS)], sem).wait()
        pltpu.async_copy(bufb, tb_hbm.at[pl.ds(base, _WWORDS)], sem).wait()
        pltpu.async_copy(bufc, tc_hbm.at[pl.ds(base, _WWORDS)], sem).wait()


def _tc_fill_block(ta_ref, tb_ref, tc_ref, val_ref, out_ref):
    ta = ta_ref[...].reshape(_SUB, 1)
    tb = tb_ref[...].reshape(_SUB, 1)
    tc = tc_ref[...].reshape(_SUB, 1)
    lane = jax.lax.broadcasted_iota(jnp.int32, (_SUB, _LANES), 1)
    m = (lane == ta) | (lane == tb) | (lane == tc)
    out_ref[...] = jnp.where(m, val_ref[1], val_ref[0])


def kernel(indices, values):
    idx_flat = indices.reshape(-1)
    tshape = jax.ShapeDtypeStruct((_NSUB,), jnp.int32)
    sc_stage = pl.kernel(
        _sc_index_stage,
        out_type=(tshape, tshape, tshape),
        mesh=plsc.VectorSubcoreMesh(core_axis_name="c", subcore_axis_name="s"),
        compiler_params=pltpu.CompilerParams(needs_layout_passes=False),
        scratch_types=[
            pltpu.VMEM((_N,), jnp.int32),
            pltpu.VMEM((_WWORDS,), jnp.int32),
            pltpu.VMEM((_WWORDS,), jnp.int32),
            pltpu.VMEM((_WWORDS,), jnp.int32),
            pltpu.SemaphoreType.DMA,
        ],
    )
    ta, tb, tc = sc_stage(idx_flat)
    t3 = (_GRID, 1, _SUB)
    tspec = pl.BlockSpec((1, 1, _SUB), lambda i: (i, 0, 0))
    out = pl.pallas_call(
        _tc_fill_block,
        grid=(_GRID,),
        in_specs=[
            tspec,
            tspec,
            tspec,
            pl.BlockSpec(memory_space=pltpu.SMEM),
        ],
        out_specs=pl.BlockSpec((_SUB, _LANES), lambda i: (i, 0)),
        out_shape=jax.ShapeDtypeStruct((_NSUB, _LANES), jnp.float32),
    )(ta.reshape(t3), tb.reshape(t3), tc.reshape(t3), values)
    return out.reshape(*indices.shape, _DEPTH)

# --- scband reference (transcript-rebuilt; emitter-appended) ---
"""Pipeline reference for scband-one-hot-model-74929999446496 (READ-ONLY COPY).

The authoritative reference and input builder live on the scoring server;
editing this copy changes nothing except your own understanding.
"""

import jax, jax.numpy as jnp
import numpy as np

DEPTH = 1000
AXIS = -1


def setup_inputs(seed: int = 0) -> dict:
    key = jax.random.key(seed)
    indices = jax.random.randint(key, (1024, 26), 0, DEPTH, dtype=jnp.int32)
    # 'values' = (off_value, on_value) materialized as a float param array
    values = jnp.array([0.0, 1.0], dtype=jnp.float32)
    return {"indices": indices, "values": values}


def reference(indices, values):
    off_value = values[0]
    on_value = values[1]
    one_hot = jax.nn.one_hot(indices, DEPTH, dtype=jnp.float32)
    one_hot = one_hot * (on_value - off_value) + off_value
    if AXIS != -1:
        rank = indices.ndim + 1
        axis = AXIS if AXIS >= 0 else rank + AXIS
        perm = list(range(0, axis)) + [rank - 1] + list(range(axis, rank - 1))
        one_hot = jnp.transpose(one_hot, perm)
    return one_hot

if __name__ == "__main__":
    import jax
    _d = setup_inputs()
    print(jax.jit(kernel)(*tuple(_d.values())))

</pallas_src>

<mosaic_0001>
#map = affine_map<(d0, d1) -> (0)>
module attributes {stable_mosaic.version = 14 : i64} {
  func.func @_sc_index_stage(%arg0: i32, %arg1: i32, %arg2: memref<26624xi32, #tpu.memory_space<hbm>>, %arg3: memref<26000xi32, #tpu.memory_space<hbm>>, %arg4: memref<26000xi32, #tpu.memory_space<hbm>>, %arg5: memref<26000xi32, #tpu.memory_space<hbm>>, %arg6: memref<26624xi32, #tpu.memory_space<vmem>>, %arg7: memref<1040xi32, #tpu.memory_space<vmem>>, %arg8: memref<1040xi32, #tpu.memory_space<vmem>>, %arg9: memref<1040xi32, #tpu.memory_space<vmem>>, %arg10: memref<!tpu.dma_semaphore, #tpu.memory_space<semaphore_mem>>) attributes {dimension_semantics = [#tpu.dimension_semantics<core_parallel>, #tpu.dimension_semantics<subcore_parallel>], iteration_bounds = array<i64: 2, 16>, scalar_prefetch = 0 : i64, scratch_operands = 5 : i64, tpu.core_type = #tpu.core_type<sc_vector_subcore>, window_params = [{transform_indices = #map}, {transform_indices = #map}, {transform_indices = #map}, {transform_indices = #map}]} {
    %mul3A = arith.constant 2 : i32
    %mul3A_0 = arith.muli %arg1, %mul3A : i32
    %add3A = arith.addi %mul3A_0, %arg0 : i32
    %lt3A = arith.constant 25 : i32
    %lt3A_1 = arith.cmpi slt, %add3A, %lt3A : i32
    %convert_element_type3A = arith.extui %lt3A_1 : i1 to i32
    %cond3A = arith.constant 0 : i32
    %cond3A_2 = arith.cmpi ne, %convert_element_type3A, %cond3A : i32
    scf.if %cond3A_2 {
      tpu.enqueue_dma source(%arg2 : memref<26624xi32, #tpu.memory_space<hbm>>) target(%arg6 : memref<26624xi32, #tpu.memory_space<vmem>>) target_semaphore(%arg10 : memref<!tpu.dma_semaphore, #tpu.memory_space<semaphore_mem>>)
      tpu.wait_dma2 semaphore(%arg10 : memref<!tpu.dma_semaphore, #tpu.memory_space<semaphore_mem>>) src(%arg2 : memref<26624xi32, #tpu.memory_space<hbm>>) dst(%arg6 : memref<26624xi32, #tpu.memory_space<vmem>>)
      %iota3A = tpu.iota {dimensions = array<i32: 0>} : vector<16xi32>
      %mul3A_3 = arith.constant 1040 : i32
      %mul3A_4 = arith.muli %add3A, %mul3A_3 : i32
      %scan3A = arith.constant 0 : i32
      %scan3A_5 = arith.constant 0 : i32
      %scan3A_6 = arith.constant 65 : i32
      %scan3A_7 = arith.addi %scan3A_5, %scan3A_6 : i32
      %scan3A_8 = arith.constant 1 : i32
      %scan3A_9 = scf.for %scan3A_21 = %scan3A_5 to %scan3A_7 step %scan3A_8 iter_args(%scan3A_22 = %scan3A) -> (i32)  : i32 {
        %mul3A_23 = arith.constant 16 : i32
        %mul3A_24 = arith.muli %scan3A_21, %mul3A_23 : i32
        %add3A_25 = arith.addi %mul3A_4, %mul3A_24 : i32
        %add3A_26 = vector.broadcast %add3A_25 : i32 to vector<16xi32>
        %add3A_27 = arith.addi %add3A_26, %iota3A : vector<16xi32>
        %mul3A_28 = arith.constant 33555 : i32
        %mul3A_29 = vector.broadcast %mul3A_28 : i32 to vector<16xi32>
        %mul3A_30 = arith.muli %add3A_27, %mul3A_29 : vector<16xi32>
        %shift_right_logical3A = arith.constant 25 : i32
        %shift_right_logical3A_31 = vector.broadcast %shift_right_logical3A : i32 to vector<16xi32>
        %shift_right_logical3A_32 = arith.shrui %mul3A_30, %shift_right_logical3A_31 : vector<16xi32>
        %mul3A_33 = arith.constant 1000 : i32
        %mul3A_34 = vector.broadcast %mul3A_33 : i32 to vector<16xi32>
        %mul3A_35 = arith.muli %mul3A_34, %shift_right_logical3A_32 : vector<16xi32>
        %sub3A = arith.subi %add3A_27, %mul3A_35 : vector<16xi32>
        %mul3A_36 = arith.constant 24 : i32
        %mul3A_37 = vector.broadcast %mul3A_36 : i32 to vector<16xi32>
        %mul3A_38 = arith.muli %sub3A, %mul3A_37 : vector<16xi32>
        %mul3A_39 = arith.constant 8389 : i32
        %mul3A_40 = vector.broadcast %mul3A_39 : i32 to vector<16xi32>
        %mul3A_41 = arith.muli %mul3A_38, %mul3A_40 : vector<16xi32>
        %shift_right_logical3A_42 = arith.constant 23 : i32
        %shift_right_logical3A_43 = vector.broadcast %shift_right_logical3A_42 : i32 to vector<16xi32>
        %shift_right_logical3A_44 = arith.shrui %mul3A_41, %shift_right_logical3A_43 : vector<16xi32>
        %add3A_45 = arith.constant 1 : i32
        %add3A_46 = vector.broadcast %add3A_45 : i32 to vector<16xi32>
        %add3A_47 = arith.addi %shift_right_logical3A_44, %add3A_46 : vector<16xi32>
        %mul3A_48 = arith.constant 1000 : i32
        %mul3A_49 = vector.broadcast %mul3A_48 : i32 to vector<16xi32>
        %mul3A_50 = arith.muli %mul3A_49, %add3A_47 : vector<16xi32>
        %sub3A_51 = arith.subi %mul3A_50, %mul3A_38 : vector<16xi32>
        %mul3A_52 = arith.constant 24 : i32
        %mul3A_53 = vector.broadcast %mul3A_52 : i32 to vector<16xi32>
        %mul3A_54 = arith.muli %mul3A_53, %shift_right_logical3A_32 : vector<16xi32>
        %add3A_55 = arith.addi %add3A_27, %mul3A_54 : vector<16xi32>
        %add3A_56 = arith.addi %add3A_55, %shift_right_logical3A_44 : vector<16xi32>
        %add3A_57 = arith.constant 1 : i32
        %add3A_58 = vector.broadcast %add3A_57 : i32 to vector<16xi32>
        %add3A_59 = arith.addi %add3A_56, %add3A_58 : vector<16xi32>
        %min3A = arith.constant 26623 : i32
        %min3A_60 = vector.broadcast %min3A : i32 to vector<16xi32>
        %min3A_61 = arith.minsi %add3A_59, %min3A_60 : vector<16xi32>
        %add3A_62 = arith.constant 2 : i32
        %add3A_63 = vector.broadcast %add3A_62 : i32 to vector<16xi32>
        %add3A_64 = arith.addi %add3A_56, %add3A_63 : vector<16xi32>
        %min3A_65 = arith.constant 26623 : i32
        %min3A_66 = vector.broadcast %min3A_65 : i32 to vector<16xi32>
        %min3A_67 = arith.minsi %add3A_64, %min3A_66 : vector<16xi32>
        %gather3A = tpu.vector_load_idx %arg6[%add3A_56] : memref<26624xi32, #tpu.memory_space<vmem>>[vector<16xi32>], vector<16xi32>,
        %gather3A_68 = tpu.vector_load_idx %arg6[%min3A_61] : memref<26624xi32, #tpu.memory_space<vmem>>[vector<16xi32>], vector<16xi32>,
        %gather3A_69 = tpu.vector_load_idx %arg6[%min3A_67] : memref<26624xi32, #tpu.memory_space<vmem>>[vector<16xi32>], vector<16xi32>,
        %add3A_70 = arith.addi %gather3A, %sub3A_51 : vector<16xi32>
        %sub3A_71 = arith.constant 1000 : i32
        %sub3A_72 = vector.broadcast %sub3A_71 : i32 to vector<16xi32>
        %sub3A_73 = arith.subi %add3A_70, %sub3A_72 : vector<16xi32>
        %mul3A_74 = arith.constant 16 : i32
        %mul3A_75 = arith.muli %scan3A_21, %mul3A_74 : i32
        %swap3A = arith.index_cast %mul3A_75 : i32 to index
        %swap3A_76 = tpu.vector_load %arg7[%swap3A] {strides = array<i32>} : memref<1040xi32, #tpu.memory_space<vmem>>, vector<16xi32>,
        tpu.vector_store %arg7[%swap3A], %sub3A_73 {strides = array<i32>} : memref<1040xi32, #tpu.memory_space<vmem>>, vector<16xi32>,
        %add3A_77 = arith.addi %gather3A_68, %sub3A_51 : vector<16xi32>
        %mul3A_78 = arith.constant 16 : i32
        %mul3A_79 = arith.muli %scan3A_21, %mul3A_78 : i32
        %swap3A_80 = arith.index_cast %mul3A_79 : i32 to index
        %swap3A_81 = tpu.vector_load %arg8[%swap3A_80] {strides = array<i32>} : memref<1040xi32, #tpu.memory_space<vmem>>, vector<16xi32>,
        tpu.vector_store %arg8[%swap3A_80], %add3A_77 {strides = array<i32>} : memref<1040xi32, #tpu.memory_space<vmem>>, vector<16xi32>,
        %add3A_82 = arith.addi %gather3A_69, %sub3A_51 : vector<16xi32>
        %add3A_83 = arith.constant 1000 : i32
        %add3A_84 = vector.broadcast %add3A_83 : i32 to vector<16xi32>
        %add3A_85 = arith.addi %add3A_82, %add3A_84 : vector<16xi32>
        %mul3A_86 = arith.constant 16 : i32
        %mul3A_87 = arith.muli %scan3A_21, %mul3A_86 : i32
        %swap3A_88 = arith.index_cast %mul3A_87 : i32 to index
        %swap3A_89 = tpu.vector_load %arg9[%swap3A_88] {strides = array<i32>} : memref<1040xi32, #tpu.memory_space<vmem>>, vector<16xi32>,
        tpu.vector_store %arg9[%swap3A_88], %add3A_85 {strides = array<i32>} : memref<1040xi32, #tpu.memory_space<vmem>>, vector<16xi32>,
        %scan3A_90 = arith.constant 0 : i32
        scf.yield %scan3A_90 : i32
      }
      %scan3A_10 = arith.constant 65 : i32
      %dma_start3A = tpu.memref_slice %arg3[%mul3A_4] : memref<26000xi32, #tpu.memory_space<hbm>> -> memref<1040xi32, #tpu.memory_space<hbm>>
      %dma_start3A_11 = tpu.memref_slice %arg3[%mul3A_4] : memref<26000xi32, #tpu.memory_space<hbm>> -> memref<1040xi32, #tpu.memory_space<hbm>>
      tpu.enqueue_dma source(%arg7 : memref<1040xi32, #tpu.memory_space<vmem>>) target(%dma_start3A_11 : memref<1040xi32, #tpu.memory_space<hbm>>) target_semaphore(%arg10 : memref<!tpu.dma_semaphore, #tpu.memory_space<semaphore_mem>>)
      %dma_wait3A = tpu.memref_slice %arg3[%mul3A_4] : memref<26000xi32, #tpu.memory_space<hbm>> -> memref<1040xi32, #tpu.memory_space<hbm>>
      %dma_wait3A_12 = tpu.memref_slice %arg3[%mul3A_4] : memref<26000xi32, #tpu.memory_space<hbm>> -> memref<1040xi32, #tpu.memory_space<hbm>>
      tpu.wait_dma2 semaphore(%arg10 : memref<!tpu.dma_semaphore, #tpu.memory_space<semaphore_mem>>) src(%arg7 : memref<1040xi32, #tpu.memory_space<vmem>>) dst(%dma_wait3A_12 : memref<1040xi32, #tpu.memory_space<hbm>>)
      %dma_start3A_13 = tpu.memref_slice %arg4[%mul3A_4] : memref<26000xi32, #tpu.memory_space<hbm>> -> memref<1040xi32, #tpu.memory_space<hbm>>
      %dma_start3A_14 = tpu.memref_slice %arg4[%mul3A_4] : memref<26000xi32, #tpu.memory_space<hbm>> -> memref<1040xi32, #tpu.memory_space<hbm>>
      tpu.enqueue_dma source(%arg8 : memref<1040xi32, #tpu.memory_space<vmem>>) target(%dma_start3A_14 : memref<1040xi32, #tpu.memory_space<hbm>>) target_semaphore(%arg10 : memref<!tpu.dma_semaphore, #tpu.memory_space<semaphore_mem>>)
      %dma_wait3A_15 = tpu.memref_slice %arg4[%mul3A_4] : memref<26000xi32, #tpu.memory_space<hbm>> -> memref<1040xi32, #tpu.memory_space<hbm>>
      %dma_wait3A_16 = tpu.memref_slice %arg4[%mul3A_4] : memref<26000xi32, #tpu.memory_space<hbm>> -> memref<1040xi32, #tpu.memory_space<hbm>>
      tpu.wait_dma2 semaphore(%arg10 : memref<!tpu.dma_semaphore, #tpu.memory_space<semaphore_mem>>) src(%arg8 : memref<1040xi32, #tpu.memory_space<vmem>>) dst(%dma_wait3A_16 : memref<1040xi32, #tpu.memory_space<hbm>>)
      %dma_start3A_17 = tpu.memref_slice %arg5[%mul3A_4] : memref<26000xi32, #tpu.memory_space<hbm>> -> memref<1040xi32, #tpu.memory_space<hbm>>
      %dma_start3A_18 = tpu.memref_slice %arg5[%mul3A_4] : memref<26000xi32, #tpu.memory_space<hbm>> -> memref<1040xi32, #tpu.memory_space<hbm>>
      tpu.enqueue_dma source(%arg9 : memref<1040xi32, #tpu.memory_space<vmem>>) target(%dma_start3A_18 : memref<1040xi32, #tpu.memory_space<hbm>>) target_semaphore(%arg10 : memref<!tpu.dma_semaphore, #tpu.memory_space<semaphore_mem>>)
      %dma_wait3A_19 = tpu.memref_slice %arg5[%mul3A_4] : memref<26000xi32, #tpu.memory_space<hbm>> -> memref<1040xi32, #tpu.memory_space<hbm>>
      %dma_wait3A_20 = tpu.memref_slice %arg5[%mul3A_4] : memref<26000xi32, #tpu.memory_space<hbm>> -> memref<1040xi32, #tpu.memory_space<hbm>>
      tpu.wait_dma2 semaphore(%arg10 : memref<!tpu.dma_semaphore, #tpu.memory_space<semaphore_mem>>) src(%arg9 : memref<1040xi32, #tpu.memory_space<vmem>>) dst(%dma_wait3A_20 : memref<1040xi32, #tpu.memory_space<hbm>>)
    } else {
    }
    return
  }
}

module attributes {stable_mosaic.version = 14 : i64} {
  func.func @_tc_fill_block(%arg0: i32, %arg1: memref<1x1x1000xi32, #tpu.memory_space<vmem>>, %arg2: memref<1x1x1000xi32, #tpu.memory_space<vmem>>, %arg3: memref<1x1x1000xi32, #tpu.memory_space<vmem>>, %arg4: memref<2xf32, #tpu.memory_space<smem>>, %arg5: memref<1000x1024xf32, #tpu.memory_space<vmem>>) attributes {dimension_semantics = [#tpu.dimension_semantics<arbitrary>], iteration_bounds = array<i64: 26>, scalar_prefetch = 0 : i64, scratch_operands = 0 : i64, tpu.core_type = #tpu.core_type<tc>, window_params = [{transform_indices = @transform_0, window_bounds = array<i64: 1, 1, 1000>}, {transform_indices = @transform_1, window_bounds = array<i64: 1, 1, 1000>}, {transform_indices = @transform_2, window_bounds = array<i64: 1, 1, 1000>}, {transform_indices = @transform_3, window_bounds = array<i64: 2>}, {transform_indices = @transform_4, window_bounds = array<i64: 1000, 1024>}]} {
    %get3A = arith.constant 0 : index
    %get3A_0 = arith.constant 0 : index
    %get3A_1 = arith.constant 0 : index
    %get3A_2 = vector.load %arg1[%get3A, %get3A_0, %get3A_1] : memref<1x1x1000xi32, #tpu.memory_space<vmem>>, vector<1x1x1000xi32>
    %reshape3A = vector.shape_cast %get3A_2 : vector<1x1x1000xi32> to vector<1000x1xi32>
    %get3A_3 = arith.constant 0 : index
    %get3A_4 = arith.constant 0 : index
    %get3A_5 = arith.constant 0 : index
    %get3A_6 = vector.load %arg2[%get3A_3, %get3A_4, %get3A_5] : memref<1x1x1000xi32, #tpu.memory_space<vmem>>, vector<1x1x1000xi32>
    %reshape3A_7 = vector.shape_cast %get3A_6 : vector<1x1x1000xi32> to vector<1000x1xi32>
    %get3A_8 = arith.constant 0 : index
    %get3A_9 = arith.constant 0 : index
    %get3A_10 = arith.constant 0 : index
    %get3A_11 = vector.load %arg3[%get3A_8, %get3A_9, %get3A_10] : memref<1x1x1000xi32, #tpu.memory_space<vmem>>, vector<1x1x1000xi32>
    %reshape3A_12 = vector.shape_cast %get3A_11 : vector<1x1x1000xi32> to vector<1000x1xi32>
    %iota3A = tpu.iota {dimensions = array<i32: 1>} : vector<1000x1024xi32>
    %eq3A = vector.broadcast %reshape3A : vector<1000x1xi32> to vector<1000x1024xi32>
    %eq3A_13 = arith.cmpi eq, %iota3A, %eq3A : vector<1000x1024xi32>
    %eq3A_14 = vector.broadcast %reshape3A_7 : vector<1000x1xi32> to vector<1000x1024xi32>
    %eq3A_15 = arith.cmpi eq, %iota3A, %eq3A_14 : vector<1000x1024xi32>
    %or3A = arith.ori %eq3A_13, %eq3A_15 : vector<1000x1024xi1>
    %eq3A_16 = vector.broadcast %reshape3A_12 : vector<1000x1xi32> to vector<1000x1024xi32>
    %eq3A_17 = arith.cmpi eq, %iota3A, %eq3A_16 : vector<1000x1024xi32>
    %or3A_18 = arith.ori %or3A, %eq3A_17 : vector<1000x1024xi1>
    %get3A_19 = arith.constant 1 : index
    %get3A_20 = memref.load %arg4[%get3A_19] : memref<2xf32, #tpu.memory_space<smem>>
    %get3A_21 = arith.constant 0 : index
    %get3A_22 = memref.load %arg4[%get3A_21] : memref<2xf32, #tpu.memory_space<smem>>
    %broadcast_in_dim3A = vector.broadcast %get3A_20 : f32 to vector<1000x1024xf32>
    %broadcast_in_dim3A_23 = vector.broadcast %get3A_22 : f32 to vector<1000x1024xf32>
    %select_n3A = arith.select %or3A_18, %broadcast_in_dim3A, %broadcast_in_dim3A_23 : vector<1000x1024xi1>, vector<1000x1024xf32>
    %swap3A = arith.constant 0 : index
    %swap3A_24 = arith.constant 0 : index
    %swap3A_25 = vector.load %arg5[%swap3A, %swap3A_24] : memref<1000x1024xf32, #tpu.memory_space<vmem>>, vector<1000x1024xf32>
    tpu.vector_store %arg5[%swap3A, %swap3A_24], %select_n3A {strides = array<i32>} : memref<1000x1024xf32, #tpu.memory_space<vmem>>, vector<1000x1024xf32>,
    return
  }
  func.func @transform_0(%arg0: i32) -> (i32, i32, i32) {
    %c0_i32 = arith.constant 0 : i32
    %c0_i32_0 = arith.constant 0 : i32
    %c0_i32_1 = arith.constant 0 : i32
    return %arg0, %c0_i32, %c0_i32_0 : i32, i32, i32
  }
  func.func @transform_1(%arg0: i32) -> (i32, i32, i32) {
    %c0_i32 = arith.constant 0 : i32
    %c0_i32_0 = arith.constant 0 : i32
    %c0_i32_1 = arith.constant 0 : i32
    return %arg0, %c0_i32, %c0_i32_0 : i32, i32, i32
  }
  func.func @transform_2(%arg0: i32) -> (i32, i32, i32) {
    %c0_i32 = arith.constant 0 : i32
    %c0_i32_0 = arith.constant 0 : i32
    %c0_i32_1 = arith.constant 0 : i32
    return %arg0, %c0_i32, %c0_i32_0 : i32, i32, i32
  }
  func.func @transform_3(%arg0: i32) -> i32 {
    %c0_i32 = arith.constant 0 : i32
    %c0_i32_0 = arith.constant 0 : i32
    return %c0_i32 : i32
  }
  func.func @transform_4(%arg0: i32) -> (i32, i32) {
    %c0_i32 = arith.constant 0 : i32
    %c0_i32_0 = arith.constant 0 : i32
    return %arg0, %c0_i32 : i32, i32
  }
}

</mosaic_0001>

<sc_bundles>
// kernel: kernel.4.cloned.1.call-start
scs
__scs_entry_jumppad:
0x0: {  	(pc) =	sbr.rel $0x88, $3  }
0x1: {  	(tag) =	ssettag $0x0;
	lr =	simm.s32 $0x1  }
0x2: {  	[smem:$0x3F9F] =	sst lr;
	_ =	strace $0xD0000000  }
0x3: {  	_ = 	snop  }
0x4: {  	_ = 	snop  }
0x5: {  	_ = 	snop  }
0x6: {  	_ = 	snop  }
0x7: {  	_ = 	snop  }
__scs_overlays_trampoline_lowered:
0x8: {  	[smem:$0x3FAE] =	sst s0  }
0x9: {  	[smem:$0x3FAF] =	sst s1  }
0xa: {  	[smem:$0x3FB0] =	sst s2  }
0xb: {  	[smem:$0x3FB1] =	sst s3  }
0xc: {  	[smem:$0x3FB2] =	sst s4  }
0xd: {  	[smem:$0x3FB3] =	sst s5  }
0xe: {  	[smem:$0x3FB4] =	sst s6  }
0xf: {  	[smem:$0x3FB5] =	sst s7  }
0x10: {  	[smem:$0x3FB6] =	sst s8  }
0x11: {  	[smem:$0x3FB7] =	sst s9;
	s0 =	simm.s32 @!p0 $0x0  }
0x12: {  	s1 =	sld [smem:$0x3F9D];
	s0 =	simm.s32 @p0 $0x1  }
0x13: {  	[smem:$0x3FB8] =	sst s0;
	s0 =	simm.s32 @!p1 $0x0  }
0x14: {  	s2 =	sld [smem:$0x3F9C];
	s0 =	simm.s32 @p1 $0x1  }
0x15: {  	[smem:$0x3FB9] =	sst s0;
	s0 =	simm.s32 @!p2 $0x0  }
0x16: {  	s3 =	sld [smem:$0x3FDB];
	s0 =	simm.s32 @p2 $0x1  }
0x17: {  	s4 =	simm.s32 $0x1BF5;
	[smem:$0x3FBB] =	sst s0  }
0x18: {  	s0 =	sld [smem:$0x3F9E];
	_ =	swait.ge [sflag:s4], $0x0  }
0x19: {  	s7 =	sld [smem:$0x3F9F]  }
0x1a: {  	s8 =	sadd.s32 $0xFFFFE003, lr  }
0x1b: {  	s9 =	sadd.s32 $0xFFFFFEF7, lr;
	s5 =	simm.s32 $0xFFFFFFFF;
	p2 =	slt.u32 s8, $0xFFFFF086  }
0x1c: {  	p1 =	slt.u32 s9, $0xF7A;
	s5 =	simm.s32 @!p2 $0x0  }
0x1d: {  	s5 =	simm.s32 @p1 $0x1;
	p0 =	seq.s32 s7, s2  }
0x1e: {  	s7 =	smul.u32 @!p0 $0xF7A, s2;
	p2 =	seq.s32 @!p0 s5, $0x0  }
0x1f: {  	s9 =	smul.u32 $0xF7A, s1;
	s8 =	simm.s32 @!p0 $0x1BF5;
	p2 =	por !p2, p0  }
0x20: {  	[sflag:s8] =	ssyncset.s32 @!p0 $0xFFFFF086;
	s6 =	sadd.s32 @!p0 s3, s7;
	s7 =	simm.s32 @!p0 $0x108  }
0x21: {  	s3 =	sadd.s32 s3, s9;
	s6 =	sadd.s32 @!p0 $0x88, s6;
	s7 =	simm.s32 @p2 $0x1082  }
0x22: {  	[simem:s7], [sflag:s8] =	dma.local @!p0 [hbm:s6], $0xF7A  }
0x23: {  	s9 =	sor.u32 $0xD0000000, s2;
	s6 =	simm.s32 $0x108;
	_ =	swait.ge @!p0 [sflag:s8], $0x0  }
0x24: {  	s3 =	sadd.s32 $0x88, s3;
	s6 =	simm.s32 @!p1 $0x1082;
	[sflag:s4] =	ssyncset.s32 $0xFFFFF086  }
0x25: {  	[simem:s6], [sflag:s4] =	dma.local [hbm:s3], $0xF7A  }
0x26: {  	[smem:$0x3F9F] =	sst s1;
	(tag) =	ssettag s2;
	_ =	strace s9  }
0x27: {  	s1 =	sld [smem:$0x3FAF]  }
0x28: {  	s2 =	sld [smem:$0x3FB0]  }
0x29: {  	s4 =	sld [smem:$0x3FB2]  }
0x2a: {  	p0 =	seq.s32 s5, $0x0;
	s5 =	sld [smem:$0x3FB3]  }
0x2b: {  	s6 =	sld [smem:$0x3FB4]  }
0x2c: {  	s7 =	sld [smem:$0x3FB5]  }
0x2d: {  	s3 =	simm.s32 $0x108;
	s8 =	sld [smem:$0x3FB6]  }
0x2e: {  	s3 =	simm.s32 @!p0 $0x1082;
	s9 =	sld [smem:$0x3FB7]  }
0x2f: {  	lr =	sadd.s32 s0, s3;
	s0 =	sld [smem:$0x3FAE]  }
0x30: {  	s3 =	sld [smem:$0x3FB1]  }
0x31: {  	[smem:$0x3FBA] =	sst s10  }
0x32: {  	s10 =	sld [smem:$0x3FB8];
	_ =	sdelay $0x3  }
0x33: {  	p0 =	seq.s32 s10, $0x1;
	s10 =	sld [smem:$0x3FBA];
	_ =	sdelay $0x3  }
0x34: {  	[smem:$0x3FBA] =	sst s10  }
0x35: {  	s10 =	sld [smem:$0x3FB9];
	_ =	sdelay $0x3  }
0x36: {  	p1 =	seq.s32 s10, $0x1;
	s10 =	sld [smem:$0x3FBA];
	_ =	sdelay $0x3  }
0x37: {  	[smem:$0x3FBA] =	sst s10  }
0x38: {  	s10 =	sld [smem:$0x3FBB]  }
0x39: {  	_ = 	snop;
	(pc) =	sbr.ind lr, $3  }
0x3a: {  	_ = 	snop  }
0x3b: {  	_ = 	snop  }
0x3c: {  	p2 =	seq.s32 s10, $0x1;
	s10 =	sld [smem:$0x3FBA]  }
0x3d: {  	_ =	shalt  }
0x3e: {  	_ =	shalt  }
0x3f: {  	_ =	shalt  }
0x40: {  	_ =	shalt  }
0x41: {  	_ =	shalt  }
0x42: {  	_ =	shalt  }
0x43: {  	_ =	shalt  }
0x44: {  	_ =	shalt  }
0x45: {  	_ =	shalt  }
0x46: {  	_ =	shalt  }
0x47: {  	_ =	shalt  }
0x48: {  	_ =	shalt  }
0x49: {  	_ =	shalt  }
0x4a: {  	_ =	shalt  }
0x4b: {  	_ =	shalt  }
0x4c: {  	_ =	shalt  }
0x4d: {  	_ =	shalt  }
0x4e: {  	_ =	shalt  }
0x4f: {  	_ =	shalt  }
0x50: {  	_ =	shalt  }
0x51: {  	_ =	shalt  }
0x52: {  	_ =	shalt  }
0x53: {  	_ =	shalt  }
0x54: {  	_ =	shalt  }
0x55: {  	_ =	shalt  }
0x56: {  	_ =	shalt  }
0x57: {  	_ =	shalt  }
0x58: {  	_ =	shalt  }
0x59: {  	_ =	shalt  }
0x5a: {  	_ =	shalt  }
0x5b: {  	_ =	shalt  }
0x5c: {  	_ =	shalt  }
0x5d: {  	_ =	shalt  }
0x5e: {  	_ =	shalt  }
0x5f: {  	_ =	shalt  }
0x60: {  	_ =	shalt  }
0x61: {  	_ =	shalt  }
0x62: {  	_ =	shalt  }
0x63: {  	_ =	shalt  }
0x64: {  	_ =	shalt  }
0x65: {  	_ =	shalt  }
0x66: {  	_ =	shalt  }
0x67: {  	_ =	shalt  }
0x68: {  	_ =	shalt  }
0x69: {  	_ =	shalt  }
0x6a: {  	_ =	shalt  }
0x6b: {  	_ =	shalt  }
0x6c: {  	_ =	shalt  }
0x6d: {  	_ =	shalt  }
0x6e: {  	_ =	shalt  }
0x6f: {  	_ =	shalt  }
0x70: {  	_ =	shalt  }
0x71: {  	_ =	shalt  }
0x72: {  	_ =	shalt  }
0x73: {  	_ =	shalt  }
0x74: {  	_ =	shalt  }
0x75: {  	_ =	shalt  }
0x76: {  	_ =	shalt  }
0x77: {  	_ =	shalt  }
0x78: {  	_ =	shalt  }
0x79: {  	_ =	shalt  }
0x7a: {  	_ =	shalt  }
0x7b: {  	_ =	shalt  }
0x7c: {  	_ =	shalt  }
0x7d: {  	_ =	shalt  }
0x7e: {  	_ =	shalt  }
0x7f: {  	_ =	shalt  }
0x80: {  	_ =	shalt  }
0x81: {  	_ =	shalt  }
0x82: {  	_ =	shalt  }
0x83: {  	_ =	shalt  }
0x84: {  	_ =	shalt  }
0x85: {  	_ =	shalt  }
0x86: {  	_ =	shalt  }
0x87: {  	_ =	shalt  }
.Lfunc_end0:
.L_simem_size_0:
called_computation.1_lowered:
.L_overlay_start_0:
0x88: {  	s2 =	sld [smem:$0x3FD9]  }
0x89: {  	s3 =	sld [smem:$0x3FFE];
	_ =	sdelay $0x1  }
0x8a: {  	s1 =	srdreg.scid  }
0x8b: {  	s0 =	sand.u32 $0x1, s1  }
0x8c: {  	s17 =	sshll.u32 s0, $0xA;
	s2 =	sadd.s32 s3, s2  }
0x8d: {  	s2 =	sadd.s32 s2, s17  }
0x8e: {  	[smem:$0x3FC6] =	sst s2  }
0x8f: {  	_ = 	snop  }
0x90: {  	s2 =	sld [smem:$0x3FD0];
	(tm) =	ssettm $0x1  }
0x91: {  	s18 =	sld [smem:$0x3FFB];
	_ =	sdelay $0x3  }
0x92: {  	_ =	strace s18  }
0x93: {  	s3 =	sld [smem:$0x3FFC];
	_ =	sdelay $0x3  }
0x94: {  	_ =	strace s3  }
0x95: {  	s3 =	sld [smem:$0x3FFD];
	_ =	sdelay $0x3  }
0x96: {  	_ =	strace s3  }
0x97: {  	_ =	strace $0x8FFFFFFF  }
0x98: {  	s19 =	sld [smem:$0x3FDB];
	_ =	sdelay $0x1  }
0x99: {  	s4 =	simm.s32 $_scs_section_size  }
0x9a: {  	s5 =	simm.s32 $_size__tile_overlayer_lowered;
	s6 =	simm.s32 $_tile_overlayer_lowered  }
0x9b: {  	s22 =	simm.s32 $0x1BFF;
	s21 =	sshll.u32 s6, $0x1;
	s3 =	sadd.s32 s4, s19  }
0x9c: {  	s7 =	simm.s32 $0x0;
	s20 =	sshll.u32 s5, $0x1;
	s5 =	sadd.s32 s21, s3  }
0x9d: {  	[timem:s7], [sflag:s22] =	dma.local [hbm:s5], s20  }
0x9e: {  	_ =	swait.ge [sflag:s22], s20  }
0x9f: {  	s4 =	ssub.s32 $0x0, s20;
	[sflag:s22] =	ssyncset.done $0x0  }
0xa0: {  	[sflag:s22] =	ssyncadd.s32 s4;
	_ =	sdelay $0x1  }
0xa1: {  	s23 =	simm.s32 $0x1B8B  }
0xa2: {  	_ =	swait.ge [sflag:s23], $0x1  }
0xa3: {  	[sflag:s23] =	ssyncset.done $0x0  }
0xa4: {  	s25 =	simm.s32 $0x1B8E;
	s24 =	sld [smem:$0x3FFE];
	[sflag:s23] =	ssyncadd.s32 $0xFFFFFFFF  }
0xa5: {  	s26 =	simm.s32 $execute0_lowered;
	[smem:$0x3FD2] =	sst s25  }
0xa6: {  	s5 =	sshll.u32 s26, $0x1;
	_ =	strace $0x80000046;
	[dreg:$0x1] =	wrdreg $0xFFFFFFFF  }
0xa7: {  	s28 =	simm.s32 $_size_execute0_lowered;
	s3 =	sadd.s32 s3, s5;
	[dreg:$0x0] =	wrdreg $0x0  }
0xa8: {  	s5 =	sshll.u32 s28, $0x1;
	[dreg:$0x2] =	wrdreg s3  }
0xa9: {  	[dreg:$0x3] =	wrdreg s5  }
0xaa: {  	[dreg:$0x4] =	wrdreg $0xC0  }
0xab: {  	_ =	task [dreg:s7], $0x5FFFF  }
0xac: {  	[dreg:$0x1] =	wrdreg $0xFFFFFFFF  }
0xad: {  	[dreg:$0x0] =	wrdreg $0x60  }
0xae: {  	[dreg:$0x2] =	wrdreg s2  }
0xaf: {  	[dreg:$0x3] =	wrdreg s24  }
0xb0: {  	[dreg:$0x4] =	wrdreg $0x9  }
0xb1: {  	_ =	task.clear_ibuf [dreg:s7], $0x5FFFF;
	_ =	strace $0x90000046  }
0xb2: {  	s29 =	simm.s32 $0x9;
	_ =	strace $0x80000048  }
0xb3: {  	_ =	swait.ge [sflag:s29], $0x1  }
0xb4: {  	[sflag:s29] =	ssyncadd.s32 $0xFFFFFFFF  }
0xb5: {  	_ =	strace $0x90000048  }
0xb6: {  	_ =	sfence  }
0xb7: {  	s30 =	sld [smem:$0x0];
	_ =	sdelay $0x2  }
0xb8: {  	s31 =	sshll.u32 s1, $0xD;
	s1 =	sshrl.u32 s1, $0x2  }
0xb9: {  	s3 =	sand.u32 $0x4000, s31;
	s1 =	sadd.s32 s1, s30  }
0xba: {  	s0 =	sor.u32 s3, s0;
	s1 =	sshll.u32 s1, $0x11  }
0xbb: {  	s0 =	sor.u32 s1, s0  }
0xbc: {  	s0 =	sadd.s32 $0x8F2B, s0  }
0xbd: {  	[sflag:s0] =	ssyncadd.remote.s32 $0x1  }
0xbe: {  	_ =	sfence.sel $0xFFFF  }
0xbf: {  	[dreg:$0x0] =	wrdreg $0xFFFFFFFF;
	(pc) =	sbr.abs _section_cstart, $3  }
0xc0: {  	[dreg:$0x1] =	wrdreg $0xFFFFFFFF  }
0xc1: {  	_ =	task.clear_ibuf [dreg:s7], $0x2FFFF;
	_ =	strace $0x9FFFFFFF  }
0xc2: {  	(tm) =	ssettm $0x7FFFFFFF  }
0xc3: {  	_ =	shalt  }
tec
execute0_lowered:
.L_overlay_start_1:
0x0: {  	(tag) =	ssettag $0x1  }
0x1: {  	s1 =	srdreg.scid;
	s0 =	stileid.u32  }
0x2: {  	s5 =	sand.u32 $0x1, s1;
	s4 =	sshll.u32 s0, $0x1  }
0x3: {  	s4 =	sor.u32 s5, s4  }
0x4: {  	p0 =	sgt.u32 s4, $0x18  }
.Ltmp0:
0x5: {  	_ = 	snop;
	(pc) =	sbr.rel @p0 .LBB2_5-.Ltmp0, $4  }
0x6: {  	s2 =	rddreg [dreg:$0x0]  }
0x7: {  	s6 =	rddreg [dreg:$0x1];
	s3 =	simm.s32 $0x0  }
0x8: {  	[smem:$0x7FF] =	sst s3  }
0x9: {  	s1 =	rddreg [dreg:$0x2];
	_ =	strace $0x80000047  }
0xa: {  	s4 =	smul.u32 $0x410, s4;
	s8 =	ssub.s32 $0x2, s5;
	s10 =	simm.s32 $0x6800  }
0xb: {  	s11 =	simm.s32 $0x6C80;
	s12 =	simm.s32 $0x7100;
	s9 =	sshrl.u32 s8, $0x1  }
0xc: {  	s13 =	simm.s32 $0x0;
	s7 =	sshrl.u32 s4, $0x3;
	s8 =	ssub.s32 s8, s9  }
0xd: {  	s9 =	simm.s32 $0x1;
	s7 =	sadd.s32 s7, s6;
	s8 =	smax.u32 s8, $0x1  }
0xe: {  	v0 =	vlaneseq.u32;
	s5 =	sadd.s32 $0xE00, s7;
	s6 =	sadd.s32 $0x1C00, s7;
	s7 =	sadd.s32 $0x2A00, s7  }
.LBB2_2:
0xf: {  	v1 =	vor.u32 s4, v0  }
0x10: {  	v2 =	vmul.u32 $0x8313, v1;
	_ =	sdelay $0x1  }
0x11: {  	v2 =	vshrl.u32 v2, $0x19  }
0x12: {  	v3 =	vmul.u32 $0xFFFFFC18, v2;
	_ =	sdelay $0x1  }
0x13: {  	v3 =	vadd.s32 v1, v3  }
0x14: {  	v2 =	vmul.u32 $0x18, v2;
	v4 =	vmul.u32 $0x31278, v3  }
0x15: {  	s14 =	sadd.s32 $0x10, s4  }
0x16: {  	v1 =	vadd.s32 v1, v2;
	v2 =	vor.u32 s14, v0;
	v4 =	vshrl.u32 v4, $0x17  }
0x17: {  	v5 =	vmul.u32 $0x8313, v2;
	v7 =	vadd.s32 v4, v1  }
0x18: {  	v1 =	vadd.s32 $0x2, v7  }
0x19: {  	v5 =	vshrl.u32 v5, $0x19;
	v6 =	vadd.s32 $0x1, v7;
	vm0 =	vlt.s32 v1, $0x67FF  }
0x1a: {  	s15 =	simm.s32 $0x0;
	vm1 =	vlt.s32 v6, $0x67FF;
	v8 =	vnsel vm0, $0x67FF, v1;
	v1 =	vmul.u32 $0xFFFFFC18, v5  }
0x1b: {  	[tilespmem:s15], [sflag:$0x1] =	stream.linear.gather [hbm4b:s2+s15], $0x6800, $0x38;
	v6 =	vnsel vm1, $0x67FF, v6;
	[tilespmem:$0x7580] =	vst v63  }
0x1c: {  	_ =	swait.ge [sflag:s9], $0x6800;
	v1 =	vadd.s32 v2, v1  }
0x1d: {  	[sflag:s9] =	ssyncset.done $0x0;
	v9 =	vmul.u32 $0x31278, v1  }
0x1e: {  	[sflag:s9] =	ssyncadd.s32 $0xFFFF9800;
	v5 =	vmul.u32 $0x18, v5  }
0x1f: {  	v10 =	vmul.u32 $0xFFFFFFE8, v3;
	v4 =	vmul.u32 $0x3E8, v4;
	v8 =	vld.idx.msk [tilespmem:v8+s3+$0x0], $0xffff;
	v3 =	vshrl.u32 v9, $0x17  }
0x20: {  	s16 =	sadd.s32 $0x10, s14;
	v5 =	vadd.s32 v2, v5;
	v11 =	vld.idx.msk [tilespmem:v6+s3+$0x0], $0xffff;
	v2 =	vmul.u32 $0x3E8, v3  }
0x21: {  	v3 =	vadd.s32 v3, v5;
	v5 =	vadd.s32 v4, v10;
	v4 =	vor.u32 s16, v0  }
0x22: {  	v7 =	vld.idx.msk [tilespmem:v7+s3+$0x0], $0xffff;
	v6 =	vadd.s32 $0x2, v3;
	v9 =	vmul.u32 $0x8313, v4  }
0x23: {  	v12 =	vadd.s32 $0x1, v3;
	v13 =	vadd.s32 $0x3E8, v5;
	vm14 =	vlt.s32 v6, $0x67FF  }
0x24: {  	s17 =	simm.s32 $0xC0;
	vm15 =	vlt.s32 v12, $0x67FF;
	v6 =	vnsel vm14, $0x67FF, v6;
	v9 =	vshrl.u32 v9, $0x19  }
0x25: {  	s18 =	simm.s32 $0x0;
	s15 =	simm.s32 $0x40;
	s14 =	simm.s32 $0x80;
	v10 =	vadd.s32 v8, v13;
	v8 =	vnsel vm15, $0x67FF, v12;
	v11 =	vadd.s32 v13, v11  }
.LBB2_3:
0x26: {  	p0 =	sne.s32 s17, $0x1000;
	v12 =	vmul.u32 $0xFFFFFC18, v9;
	[tilespmem:s18+$0x6C80] =	vst v11;
	v10 =	vadd.s32 $0x3E8, v10;
	s19 =	smov.u32 s17;
	s17 =	sadd.s32 $0x40, s17  }
0x27: {  	v5 =	vadd.s32 v7, v5;
	[tilespmem:s18+$0x7100] =	vst v10  }
0x28: {  	v7 =	vadd.s32 v4, v12;
	[tilespmem:s18+$0x6800] =	vst v5  }
0x29: {  	v9 =	vmul.u32 $0x18, v9;
	v5 =	vmul.u32 $0x31278, v7;
	v10 =	vld.idx.msk [tilespmem:v6+s3+$0x0], $0xffff  }
0x2a: {  	v6 =	vmul.u32 $0xFFFFFFE8, v1;
	v1 =	vmov v7;
	v11 =	vld.idx.msk [tilespmem:v8+s3+$0x0], $0xffff  }
0x2b: {  	v4 =	vadd.s32 v4, v9;
	v8 =	vshrl.u32 v5, $0x17  }
.Ltmp1:
0x2c: {  	s16 =	sadd.s32 $0x10, s16;
	v5 =	vadd.s32 v2, v6;
	v2 =	vmul.u32 $0x3E8, v8;
	v7 =	vld.idx.msk [tilespmem:v3+s3+$0x0], $0xffff;
	v3 =	vadd.s32 v8, v4;
	(pc) =	sbr.rel @p0 .LBB2_3-.Ltmp1, $4  }
0x2d: {  	v4 =	vor.u32 s16, v0;
	v8 =	vadd.s32 $0x1, v3;
	v6 =	vadd.s32 $0x2, v3  }
0x2e: {  	v12 =	vadd.s32 $0x3E8, v5;
	v9 =	vmul.u32 $0x8313, v4;
	vm0 =	vlt.s32 v6, $0x67FF  }
0x2f: {  	vm1 =	vlt.s32 v8, $0x67FF;
	v10 =	vadd.s32 v10, v12;
	v6 =	vnsel vm0, $0x67FF, v6  }
0x30: {  	s18 =	sshra.s32 s15, $0x2;
	s15 =	smov.u32 s14;
	s14 =	smov.u32 s19;
	v9 =	vshrl.u32 v9, $0x19;
	v8 =	vnsel vm1, $0x67FF, v8;
	v11 =	vadd.s32 v12, v11  }
0x31: {  	v12 =	vmul.u32 $0xFFFFFC18, v9  }
0x32: {  	[tilespmem:s18+$0x6C80] =	vst v11;
	v10 =	vadd.s32 $0x3E8, v10  }
0x33: {  	v5 =	vadd.s32 v7, v5;
	[tilespmem:s18+$0x7100] =	vst v10;
	v57 =	vadd.s32 v4, v12  }
0x34: {  	v59 =	vmul.u32 $0x18, v9;
	[tilespmem:s18+$0x6800] =	vst v5;
	v58 =	vmul.u32 $0x31278, v57  }
0x35: {  	v6 =	vld.idx.msk [tilespmem:v6+s3+$0x0], $0xffff  }
0x36: {  	v8 =	vld.idx.msk [tilespmem:v8+s3+$0x0], $0xffff;
	v60 =	vadd.s32 v4, v59;
	v5 =	vshrl.u32 v58, $0x17  }
0x37: {  	v1 =	vmul.u32 $0xFFFFFFE8, v1;
	v3 =	vld.idx.msk [tilespmem:v3+s3+$0x0], $0xffff;
	v4 =	vadd.s32 v5, v60  }
0x38: {  	v61 =	vadd.s32 $0x2, v4  }
0x39: {  	v1 =	vadd.s32 v2, v1;
	v2 =	vadd.s32 $0x1, v4;
	vm0 =	vlt.s32 v61, $0x67FF  }
0x3a: {  	v62 =	vadd.s32 $0x3E8, v1;
	vm1 =	vlt.s32 v2, $0x67FF;
	v9 =	vnsel vm0, $0x67FF, v61  }
0x3b: {  	s15 =	sshra.s32 s15, $0x2;
	v8 =	vadd.s32 v62, v8;
	v2 =	vnsel vm1, $0x67FF, v2  }
0x3c: {  	v6 =	vadd.s32 v6, v62;
	v1 =	vadd.s32 v3, v1;
	[tilespmem:s15+$0x6C80] =	vst v8  }
0x3d: {  	v6 =	vadd.s32 $0x3E8, v6;
	[tilespmem:s15+$0x6800] =	vst v1  }
0x3e: {  	[tilespmem:s15+$0x7100] =	vst v6  }
0x3f: {  	v1 =	vld.idx.msk [tilespmem:v9+s3+$0x0], $0xffff  }
0x40: {  	v2 =	vld.idx.msk [tilespmem:v2+s3+$0x0], $0xffff  }
0x41: {  	v63 =	vmul.u32 $0xFFFFFFE8, v57;
	v3 =	vmul.u32 $0x3E8, v5  }
0x42: {  	v4 =	vld.idx.msk [tilespmem:v4+s3+$0x0], $0xffff  }
0x43: {  	v3 =	vadd.s32 v3, v63  }
0x44: {  	v5 =	vadd.s32 $0x3E8, v3  }
0x45: {  	s14 =	sshra.s32 s14, $0x2;
	v1 =	vadd.s32 v1, v5;
	v2 =	vadd.s32 v5, v2  }
0x46: {  	[tilespmem:s14+$0x6C80] =	vst v2;
	v1 =	vadd.s32 $0x3E8, v1  }
0x47: {  	v2 =	vadd.s32 v4, v3;
	[tilespmem:s14+$0x7100] =	vst v1  }
0x48: {  	[tilespmem:s14+$0x6800] =	vst v2  }
0x49: {  	[hbm4b:s5+s3] =	stream.linear.scatter [tilespmem:s10], [sflag:$0x1], $0x410, $0x38;
	[tilespmem:$0x7580] =	vst v63  }
0x4a: {  	_ =	swait.ge [sflag:s9], $0x410  }
0x4b: {  	[sflag:s9] =	ssyncset.done $0x0  }
0x4c: {  	[sflag:s9] =	ssyncadd.s32 $0xFFFFFBF0  }
0x4d: {  	[hbm4b:s6+s3] =	stream.linear.scatter [tilespmem:s11], [sflag:$0x1], $0x410, $0x38;
	[tilespmem:$0x7580] =	vst v63  }
0x4e: {  	s13 =	sadd.s32 $0x1, s13;
	_ =	swait.ge [sflag:s9], $0x410  }
0x4f: {  	p0 =	sne.s32 s13, s8;
	[sflag:s9] =	ssyncset.done $0x0  }
.Ltmp2:
0x50: {  	[sflag:s9] =	ssyncadd.s32 $0xFFFFFBF0;
	(pc) =	sbr.rel @p0 .LBB2_2-.Ltmp2, $4  }
0x51: {  	[hbm4b:s7+s3] =	stream.linear.scatter [tilespmem:s12], [sflag:$0x1], $0x410, $0x38;
	[tilespmem:$0x7580] =	vst v63  }
0x52: {  	_ =	swait.ge [sflag:s9], $0x410  }
0x53: {  	[sflag:s9] =	ssyncset.done $0x0  }
0x54: {  	[sflag:s9] =	ssyncadd.s32 $0xFFFFFBF0  }
.LBB2_5:
0x55: {  	_ =	sfence.sel $0x180000  }
0x56: {  	[bflag:$0x0] =	sbarrier.arrive $0xFFFF  }
0x57: {  	p0 =	sne.s32 s0, $0x0;
	_ =	strace $0x90000047  }
0x58: {  	s0 =	sadd.s32 @!p0 $0x100000, s1;
	[bflag:$0x2] =	sbarrier.arrive $0xFFFF  }
0x59: {  	[sflag:s0] =	ssyncadd.tile.s32 @!p0 $0x1;
	_ =	shalt  }
.Lfunc_end2:
_tile_overlayer_lowered:
.L_overlay_start_2:
0x5a: {  	(tag) =	ssettag $0x2  }
0x5b: {  	s0 =	rddreg [dreg:$0x0];
	s2 =	stileid.u32  }
0x5c: {  	s1 =	rddreg [dreg:$0x1];
	p0 =	sne.s32 s2, $0x0  }
0x5d: {  	s3 =	rddreg [dreg:$0x2];
	[bflag:$0x3] =	sbarrier.arrive $0xFFFF;
	s2 =	simm.s32 @!p0 $0x1C02  }
0x5e: {  	[timem:s3], [sflag:s2] =	dma.local @!p0 [hbm:s0], s1  }
0x5f: {  	s0 =	simm.s32 @!p0 $0x2  }
0x60: {  	_ =	swait.ge @!p0 [sflag:s0], s1  }
0x61: {  	s1 =	ssub.s32 @!p0 $0x0, s1;
	[sflag:s0] =	ssyncset.done @!p0 $0x0  }
0x62: {  	[sflag:s0] =	ssyncadd.s32 @!p0 s1  }
0x63: {  	[bflag:$0x3] =	sbarrier.arrive $0xFFFF  }
0x64: {  	_ =	shalt  }

// kernel: sparse-core-data-format-call.cloned.1.call-start
scs
called_computation_lowered:
.L_overlay_start_0:
0x0: {  	s2 =	sld [smem:$0x3FD9]  }
0x1: {  	s3 =	sld [smem:$0x3FFE];
	_ =	sdelay $0x1  }
0x2: {  	s1 =	srdreg.scid  }
0x3: {  	s0 =	sand.u32 $0x1, s1  }
0x4: {  	s18 =	sshll.u32 s0, $0xA;
	s2 =	sadd.s32 s3, s2  }
0x5: {  	s2 =	sadd.s32 s2, s18  }
0x6: {  	[smem:$0x3FC6] =	sst s2  }
0x7: {  	_ = 	snop  }
0x8: {  	s2 =	sld [smem:$0x3FD0];
	(tm) =	ssettm $0x1  }
0x9: {  	s19 =	sld [smem:$0x3FFB];
	_ =	sdelay $0x3  }
0xa: {  	_ =	strace s19  }
0xb: {  	s3 =	sld [smem:$0x3FFC];
	_ =	sdelay $0x3  }
0xc: {  	_ =	strace s3  }
0xd: {  	s3 =	sld [smem:$0x3FFD];
	_ =	sdelay $0x3  }
0xe: {  	_ =	strace s3  }
0xf: {  	_ =	strace $0x8FFFFFFF  }
0x10: {  	s20 =	sld [smem:$0x3FDB];
	_ =	sdelay $0x1  }
0x11: {  	s4 =	simm.s32 $_scs_section_size  }
0x12: {  	s5 =	simm.s32 $_size__tile_overlayer_lowered;
	s6 =	simm.s32 $_tile_overlayer_lowered  }
0x13: {  	s23 =	simm.s32 $0x1BFF;
	s22 =	sshll.u32 s6, $0x1;
	s3 =	sadd.s32 s4, s20  }
0x14: {  	s7 =	simm.s32 $0x0;
	s21 =	sshll.u32 s5, $0x1;
	s5 =	sadd.s32 s22, s3  }
0x15: {  	[timem:s7], [sflag:s23] =	dma.local [hbm:s5], s21  }
0x16: {  	_ =	swait.ge [sflag:s23], s21  }
0x17: {  	s4 =	ssub.s32 $0x0, s21;
	[sflag:s23] =	ssyncset.done $0x0  }
0x18: {  	[sflag:s23] =	ssyncadd.s32 s4;
	_ =	sdelay $0x1  }
0x19: {  	s24 =	simm.s32 $0x1B8B  }
0x1a: {  	_ =	swait.ge [sflag:s24], $0x1  }
0x1b: {  	[sflag:s24] =	ssyncset.done $0x0  }
0x1c: {  	s26 =	simm.s32 $0x1B8E;
	s25 =	sld [smem:$0x3FFE];
	[sflag:s24] =	ssyncadd.s32 $0xFFFFFFFF  }
0x1d: {  	s27 =	simm.s32 $execute0_lowered;
	[smem:$0x3FD2] =	sst s26  }
0x1e: {  	s5 =	sshll.u32 s27, $0x1;
	_ =	strace $0x80000049;
	[dreg:$0x1] =	wrdreg $0xFFFFFFFF  }
0x1f: {  	s28 =	simm.s32 $_size_execute0_lowered;
	s3 =	sadd.s32 s3, s5;
	[dreg:$0x0] =	wrdreg $0x0  }
0x20: {  	s5 =	sshll.u32 s28, $0x1;
	[dreg:$0x2] =	wrdreg s3  }
0x21: {  	[dreg:$0x3] =	wrdreg s5  }
0x22: {  	[dreg:$0x4] =	wrdreg $0xC0  }
0x23: {  	_ =	task [dreg:s7], $0x5FFFF  }
0x24: {  	[dreg:$0x1] =	wrdreg $0xFFFFFFFF  }
0x25: {  	[dreg:$0x0] =	wrdreg $0x60  }
0x26: {  	[dreg:$0x2] =	wrdreg s25  }
0x27: {  	[dreg:$0x3] =	wrdreg s2  }
0x28: {  	[dreg:$0x4] =	wrdreg $0x9  }
0x29: {  	_ =	task.clear_ibuf [dreg:s7], $0x5FFFF;
	_ =	strace $0x90000049  }
0x2a: {  	s29 =	simm.s32 $0x9;
	_ =	strace $0x8000004B  }
0x2b: {  	_ =	swait.ge [sflag:s29], $0x1  }
0x2c: {  	[sflag:s29] =	ssyncadd.s32 $0xFFFFFFFF  }
0x2d: {  	_ =	strace $0x9000004B  }
0x2e: {  	_ =	sfence  }
0x2f: {  	s30 =	sld [smem:$0x0];
	_ =	sdelay $0x2  }
0x30: {  	s31 =	sshll.u32 s1, $0xD;
	s1 =	sshrl.u32 s1, $0x2  }
0x31: {  	s3 =	sand.u32 $0x4000, s31;
	s1 =	sadd.s32 s1, s30  }
0x32: {  	s0 =	sor.u32 s3, s0;
	s1 =	sshll.u32 s1, $0x11  }
0x33: {  	s0 =	sor.u32 s1, s0  }
0x34: {  	s0 =	sadd.s32 $0x8F2B, s0  }
0x35: {  	[sflag:s0] =	ssyncadd.remote.s32 $0x1  }
0x36: {  	_ =	sfence.sel $0xFFFF  }
0x37: {  	[dreg:$0x0] =	wrdreg $0xFFFFFFFF;
	(pc) =	sbr.abs _section_cstart, $3  }
0x38: {  	[dreg:$0x1] =	wrdreg $0xFFFFFFFF  }
0x39: {  	_ =	task.clear_ibuf [dreg:s7], $0x2FFFF;
	_ =	strace $0x9FFFFFFF  }
0x3a: {  	(tm) =	ssettm $0x7FFFFFFF  }
0x3b: {  	_ =	shalt  }
tec
execute0_lowered:
.L_overlay_start_1:
0x0: {  	(tag) =	ssettag $0x1  }
0x1: {  	s4 =	rddreg [dreg:$0x0]  }
0x2: {  	s0 =	stileid.u32;
	s2 =	rddreg [dreg:$0x1]  }
0x3: {  	s7 =	srdreg.scid;
	s31 =	simm.s32 $0x2;
	s17 =	simm.s32 $0x0  }
0x4: {  	s9 =	simm.s32 $0x2000;
	s19 =	simm.s32 $0x0;
	s18 =	simm.s32 $0x0  }
0x5: {  	s10 =	simm.s32 $0x0;
	s11 =	simm.s32 $0x0;
	s1 =	sshll.u32 s0, $0x7  }
0x6: {  	s12 =	simm.s32 $0x0;
	s14 =	simm.s32 $0x0;
	s3 =	sand.u32 $0x380, s1  }
0x7: {  	s16 =	simm.s32 $0x0;
	s4 =	sadd.s32 $0x32D600, s4;
	s5 =	ssub.s32 $0x400, s3  }
0x8: {  	s8 =	sshll.u32 s0, $0x4;
	s7 =	sshll.u32 s7, $0x8;
	s6 =	sand.u32 $0x380, s5  }
0x9: {  	s1 =	rddreg [dreg:$0x2];
	p0 =	sne.s32 s6, $0x0;
	s6 =	simm.s32 $0x1  }
.Ltmp0:
0xa: {  	s5 =	sshrl.u32 s5, $0xA;
	s6 =	simm.s32 @!p0 $0x0;
	(pc) =	sbr.rel .LBB1_1-.Ltmp0, $4  }
0xb: {  	_ =	strace $0x8000004A;
	s7 =	sor.u32 s8, s7;
	s6 =	sadd.s32 s6, s5  }
0xc: {  	s7 =	sand.u32 $0x180, s7;
	s5 =	simm.s32 $0x1;
	s6 =	smul.u32 $0x34, s6  }
0xd: {  	s15 =	smov.u32 s3;
	s13 =	smov.u32 s7;
	[sflag:s5] =	ssyncpa.u1 $0x0  }
0xe: {  	p0 =	por $0x0, $0x0;
	[sflag:s31] =	ssyncpa.u1 $0x0;
	s8 =	sor.u32 $0x1, s6  }
.LBB1_4:
0xf: {  	s25 =	sshll.u32 s10, $0xA;
	s24 =	sshra.s32 s24, $0x2;
	s26 =	sshll.u32 s12, $0x3  }
0x10: {  	p1 =	sgt.s32 s11, $0x19;
	s27 =	smov.u32 s11;
	s28 =	sshra.s32 s11, $0x1F  }
0x11: {  	p2 =	sgt.s32 s12, $0x380;
	s31 =	sshra.s32 s12, $0x1F;
	s25 =	sand.u32 $0xFFFFE000, s25  }
0x12: {  	s26 =	sand.u32 $0xFFFFFC00, s26;
	s27 =	simm.s32 @!p1 $0x19;
	s28 =	sand.u32 s28, s11  }
0x13: {  	[tilespmem:s22+$0x2040 ss:$0x81] =	vst.msk $0xffff, v4;
	s23 =	sadd.s32 s24, s23;
	s29 =	sadd.s32 s26, s25;
	s25 =	ssub.s32 s27, s28  }
0x14: {  	[tilespmem:s22+$0x2850 ss:$0x81] =	vst.msk $0xffff, v3;
	s27 =	smov.u32 s12;
	s28 =	smov.u32 s10;
	s26 =	sand.u32 s31, s12  }
0x15: {  	[tilespmem:s22+$0x3060 ss:$0x81] =	vst.msk $0xffff, v2;
	s24 =	sshrl.u32 s29, $0xA;
	s30 =	sadd.s32 $0xFFFFFFE7, s25;
	s27 =	simm.s32 @!p2 $0x380  }
0x16: {  	v5 =	vld [tilespmem:s21+$0xFFFFFFD0];
	[tilespmem:s22+$0x0 ss:$0x81] =	vst.msk $0xffff, v1;
	p2 =	sgt.s32 s10, $0x368;
	s29 =	sshra.s32 s10, $0x1F;
	s22 =	ssub.s32 $0x1A, s25  }
0x17: {  	v58 =	vld [tilespmem:s21+$0xFFFFFFE0];
	p1 =	sgt.s32 s30, $0x0;
	s28 =	simm.s32 @!p2 $0x368;
	s29 =	sand.u32 s29, s10  }
0x18: {  	v59 =	vld [tilespmem:s21+$0xFFFFFFF0];
	s26 =	ssub.s32 s27, s26;
	s27 =	smulhi.u32 $0x418938, s24;
	s28 =	ssub.s32 s28, s29  }
0x19: {  	v60 =	vld [tilespmem:s21+$0x0];
	s30 =	sadd.s32 $0xFFFFFC80, s26;
	s25 =	ssub.s32 $0x400, s26;
	s22 =	simm.s32 @p1 $0x0  }
0x1a: {  	v61 =	vld [tilespmem:s21+$0x10];
	[tilespmem:s23+$0x3870 ss:$0x81] =	vst.msk $0xffff, v0;
	s29 =	sand.u32 $0x78, s12;
	p2 =	sgt.s32 s30, $0x7F;
	s31 =	sadd.s32 $0xFFFFFC98, s28  }
0x1b: {  	v62 =	vld [tilespmem:s21+$0x20];
	[tilespmem:s23+$0x810 ss:$0x81] =	vst.msk $0xffff, v5;
	s27 =	smul.u32 $0x3E8, s27;
	s30 =	sshll.u32 s10, $0x7;
	s28 =	ssub.s32 $0x3E8, s28  }
0x1c: {  	v63 =	vld [tilespmem:s21+$0xFFFFFFC0];
	[tilespmem:s23+$0x1020 ss:$0x81] =	vst.msk $0xffff, v58;
	s25 =	simm.s32 @p2 $0x0;
	p1 =	sgt.s32 s31, $0x7F;
	s31 =	smul.u32 $0x1F400, s11  }
0x1d: {  	[tilespmem:s23+$0x1830 ss:$0x81] =	vst.msk $0xffff, v59;
	s21 =	sand.u32 $0x380, s30;
	s22 =	smul.u32 s25, s22;
	s28 =	simm.s32 @p1 $0x0  }
0x1e: {  	[tilespmem:s23+$0x2040 ss:$0x81] =	vst.msk $0xffff, v60;
	s21 =	sor.u32 s29, s21;
	s24 =	ssub.s32 s24, s27;
	s29 =	sand.u32 $0x7, s12  }
0x1f: {  	[tilespmem:s23+$0x2850 ss:$0x81] =	vst.msk $0xffff, v61;
	s21 =	sshrl.u32 s21, $0x3;
	s25 =	sadd.s32 s2, s31;
	s22 =	smul.u32 s28, s22  }
0x20: {  	[tilespmem:s23+$0x3060 ss:$0x81] =	vst.msk $0xffff, v62;
	s24 =	sshll.u32 s24, $0x7;
	s30 =	sshll.u32 s29, $0x12;
	s21 =	sadd.s32 s21, s25  }
0x21: {  	[tilespmem:s23+$0x0 ss:$0x81] =	vst.msk $0xffff, v63;
	s31 =	sor.u32 $0x400, s30;
	s21 =	sadd.s32 s24, s21;
	s22 =	sand.u32 $0x3FFFFFFF, s22  }
0x22: {  	[hbm4b:s21+s31] =	stream.strided.scatter [tilespmem:s20], [sflag:$0x2], s22, s9, s31, $0x20;
	[tilespmem:$0x10100] =	vst v63  }
.LBB1_5:
0x23: {  	p1 =	slt.u32 s16, $0x2  }
0x24: {  	p2 =	sgt.s32 @!p1 s19, $0x19  }
0x25: {  	s20 =	smov.u32 s19;
	s21 =	sshra.s32 @!p1 s19, $0x1F;
	p2 =	por !p2, p1  }
0x26: {  	s19 =	sand.u32 @!p1 s21, s19;
	s20 =	simm.s32 @p2 $0x19  }
0x27: {  	p3 =	sgt.s32 @!p1 s17, $0x368;
	s19 =	ssub.s32 @!p1 s20, s19  }
0x28: {  	p4 =	sgt.s32 @!p1 s18, $0x380;
	s22 =	sshra.s32 @!p1 s18, $0x1F;
	s20 =	sadd.s32 @!p1 $0xFFFFFFE7, s19  }
0x29: {  	s21 =	smov.u32 s17;
	p2 =	sgt.s32 @!p1 s20, $0x0;
	s20 =	sshra.s32 @!p1 s17, $0x1F  }
0x2a: {  	p4 =	por !p4, p1;
	s17 =	sand.u32 @!p1 s20, s17;
	s20 =	smov.u32 s18  }
0x2b: {  	p3 =	por !p3, p1;
	s18 =	sand.u32 @!p1 s22, s18;
	s20 =	simm.s32 @p4 $0x380  }
0x2c: {  	s21 =	simm.s32 @p3 $0x368;
	s19 =	ssub.s32 @!p1 $0x1A, s19;
	s18 =	ssub.s32 @!p1 s20, s18  }
0x2d: {  	p2 =	por !p2, p1;
	s17 =	ssub.s32 @!p1 s21, s17;
	s21 =	sadd.s32 @!p1 $0xFFFFFC80, s18  }
0x2e: {  	s19 =	simm.s32 @!p2 $0x0;
	p3 =	sgt.s32 @!p1 s21, $0x7F  }
0x2f: {  	s20 =	sadd.s32 @!p1 $0xFFFFFC98, s17;
	s18 =	ssub.s32 @!p1 $0x400, s18;
	p3 =	por !p3, p1  }
0x30: {  	p2 =	sgt.s32 @!p1 s20, $0x7F;
	s20 =	sadd.s32 $0x200, s13;
	s18 =	simm.s32 @!p3 $0x0  }
0x31: {  	p3 =	sgt.s32 s20, $0x3E7;
	s18 =	smul.u32 @!p1 s18, s19;
	s19 =	simm.s32 $0x1  }
0x32: {  	s17 =	ssub.s32 @!p1 $0x3E8, s17;
	p2 =	por !p2, p1;
	s19 =	simm.s32 @!p3 $0x0  }
0x33: {  	s22 =	smov.u32 s15;
	s17 =	simm.s32 @!p2 $0x0;
	s21 =	sadd.s32 s19, s14  }
0x34: {  	s17 =	smul.u32 @!p1 s17, s18;
	s18 =	sadd.s32 $0x400, s15;
	p2 =	sgt.s32 s21, $0x19  }
0x35: {  	p0 =	por !p0, !p0;
	s23 =	simm.s32 @!p1 $0x2;
	s22 =	smov.u32 @p2 s18  }
0x36: {  	s20 =	smov.u32 @p3 s7;
	s21 =	simm.s32 @p2 $0x0;
	p2 =	sgt.s32 s22, $0x3FF  }
0x37: {  	s19 =	smov.u32 s11;
	s22 =	smov.u32 @p2 s3;
	p2 =	sne.s32 s16, s8  }
.Ltmp1:
0x38: {  	s11 =	smov.u32 s14;
	s17 =	sand.u32 @!p1 $0x3FFFFFFF, s17;
	(pc) =	sbr.rel @!p2 .LBB1_6-.Ltmp1, $4  }
0x39: {  	s18 =	smov.u32 s12;
	s12 =	smov.u32 s15;
	_ =	swait.ge @!p1 [sflag:s23], s17  }
0x3a: {  	s24 =	ssub.s32 @!p1 $0x0, s17;
	s17 =	smov.u32 s10;
	s10 =	smov.u32 s13  }
0x3b: {  	s13 =	smov.u32 s20;
	s14 =	smov.u32 s21;
	[sflag:s23] =	ssyncset.done @!p1 $0x0  }
0x3c: {  	s16 =	sadd.s32 $0x1, s16;
	[sflag:s23] =	ssyncadd.s32 @!p1 s24;
	s15 =	smov.u32 s22  }
.LBB1_1:
0x3d: {  	p1 =	sge.u32 s16, s6  }
0x3e: {  	s31 =	sadd.s32 $0xFFFFFFFF, s16;
	s20 =	sshll.u32 @!p1 s14, $0x7  }
0x3f: {  	s21 =	sxor.u32 @!p1 $0xFFFFFFFF, s16;
	s22 =	sand.u32 @!p1 $0x78, s13;
	s23 =	sand.u32 @!p1 $0x380, s20  }
0x40: {  	s21 =	sshll.u32 @!p1 s21, $0xE;
	s22 =	sor.u32 @!p1 s22, s23;
	s23 =	sshll.u32 @!p1 s15, $0xC  }
0x41: {  	s20 =	sand.u32 @!p1 $0xC00, s20;
	s22 =	sshrl.u32 @!p1 s22, $0x3;
	s23 =	sadd.s32 @!p1 s4, s23  }
0x42: {  	s20 =	sadd.s32 @!p1 s13, s20;
	s22 =	sadd.s32 @!p1 s22, s23;
	s23 =	sand.u32 @!p1 $0x7, s13  }
0x43: {  	s21 =	sand.u32 @!p1 $0x4000, s21;
	s20 =	sand.u32 @!p1 $0xF80, s20;
	s23 =	sshll.u32 @!p1 s23, $0x12  }
0x44: {  	s20 =	sadd.s32 @!p1 s20, s22;
	s22 =	sor.u32 @!p1 $0x80, s23;
	s23 =	simm.s32 @!p1 $0x8000  }
0x45: {  	[tilespmem:s21], [sflag:$0x1] =	stream.strided.gather @!p1 [hbm4b:s20+s22], $0x4000, s23, s22, $0x38;
	[tilespmem:$0x10100] =	vst v63  }
0x46: {  	p1 =	sge.u32 s31, s6  }
.Ltmp2:
0x47: {  	_ = 	snop;
	(pc) =	sbr.rel @p1 .LBB1_5-.Ltmp2, $1  }
0x48: {  	_ =	sdelay $0x3  }
0x49: {  	s20 =	simm.s32 $0x1  }
0x4a: {  	_ =	swait.ge [sflag:s5], $0x4000;
	s20 =	simm.s32 @!p0 $0x0  }
0x4b: {  	[sflag:s5] =	ssyncset.done $0x0;
	s21 =	sshll.u32 s20, $0xE  }
0x4c: {  	[sflag:s5] =	ssyncadd.s32 $0xFFFFC000;
	s21 =	sor.u32 $0x40, s21  }
0x4d: {  	s20 =	smul.u32 $0x10200, s20;
	v0 =	vld [tilespmem:s21+$0x30]  }
0x4e: {  	v1 =	vld [tilespmem:s21+$0xFFFFFFD0]  }
0x4f: {  	s20 =	sshrl.u32 s20, $0x2;
	v5 =	vld [tilespmem:s21+$0xFFFFFFE0]  }
0x50: {  	v6 =	vld [tilespmem:s21+$0xFFFFFFF0];
	s23 =	sor.u32 $0x8000, s20  }
0x51: {  	s31 =	sand.u32 $0x1, s16;
	v4 =	vld [tilespmem:s21+$0x0];
	s22 =	sadd.s32 $0x0, s23  }
0x52: {  	v3 =	vld [tilespmem:s21+$0x10];
	s20 =	smul.u32 $0x10200, s31;
	[tilespmem:s22+$0x3870 ss:$0x81] =	vst.msk $0xffff, v0  }
0x53: {  	v2 =	vld [tilespmem:s21+$0x20];
	[tilespmem:s22+$0x810 ss:$0x81] =	vst.msk $0xffff, v1  }
0x54: {  	s20 =	sshrl.u32 s20, $0x2;
	v1 =	vld [tilespmem:s21+$0xFFFFFFC0];
	[tilespmem:s22+$0x1020 ss:$0x81] =	vst.msk $0xffff, v5;
	s21 =	sadd.s32 $0x80, s21  }
0x55: {  	s24 =	simm.s32 $0x4;
	s25 =	simm.s32 $0x8;
	s20 =	sor.u32 $0x8000, s20;
	[tilespmem:s22+$0x1830 ss:$0x81] =	vst.msk $0xffff, v6;
	v0 =	vld [tilespmem:s21+$0x30]  }
.LBB1_3:
0x56: {  	p1 =	sne.s32 s25, $0x1FC;
	v5 =	vld [tilespmem:s21+$0xFFFFFFD0];
	[tilespmem:s22+$0x2040 ss:$0x81] =	vst.msk $0xffff, v4  }
0x57: {  	v6 =	vld [tilespmem:s21+$0xFFFFFFE0];
	[tilespmem:s22+$0x2850 ss:$0x81] =	vst.msk $0xffff, v3  }
0x58: {  	s26 =	sshra.s32 s24, $0x2;
	s24 =	smov.u32 s25;
	v7 =	vld [tilespmem:s21+$0xFFFFFFF0];
	[tilespmem:s22+$0x3060 ss:$0x81] =	vst.msk $0xffff, v2  }
.Ltmp3:
0x59: {  	v4 =	vld [tilespmem:s21+$0x0];
	[tilespmem:s22+$0x0 ss:$0x81] =	vst.msk $0xffff, v1;
	s22 =	sadd.s32 s26, s23;
	(pc) =	sbr.rel @p1 .LBB1_3-.Ltmp3, $4  }
0x5a: {  	v3 =	vld [tilespmem:s21+$0x10];
	[tilespmem:s22+$0x3870 ss:$0x81] =	vst.msk $0xffff, v0  }
0x5b: {  	[tilespmem:s22+$0x810 ss:$0x81] =	vst.msk $0xffff, v5;
	v2 =	vld [tilespmem:s21+$0x20]  }
0x5c: {  	v1 =	vld [tilespmem:s21+$0xFFFFFFC0];
	[tilespmem:s22+$0x1020 ss:$0x81] =	vst.msk $0xffff, v6;
	s21 =	sadd.s32 $0x80, s21  }
0x5d: {  	s25 =	sadd.s32 $0x4, s25;
	v0 =	vld [tilespmem:s21+$0x30];
	[tilespmem:s22+$0x1830 ss:$0x81] =	vst.msk $0xffff, v7  }
.Ltmp4:
0x5e: {  	_ = 	snop;
	(pc) =	sbr.rel .LBB1_4-.Ltmp4, $1  }
0x5f: {  	_ =	sdelay $0x3  }
.LBB1_6:
0x60: {  	_ =	sfence.sel $0x180000  }
0x61: {  	s2 =	simm.s32 $0x1;
	[bflag:$0x0] =	sbarrier.arrive $0xFFFF  }
0x62: {  	s31 =	simm.s32 $0x2;
	[sflag:s2] =	ssyncpa.u1 $0x1  }
0x63: {  	[sflag:s31] =	ssyncpa.u1 $0x1  }
0x64: {  	p0 =	sne.s32 s0, $0x0;
	_ =	strace $0x9000004A  }
0x65: {  	s0 =	sadd.s32 @!p0 $0x100000, s1;
	[bflag:$0x2] =	sbarrier.arrive $0xFFFF  }
0x66: {  	[sflag:s0] =	ssyncadd.tile.s32 @!p0 $0x1;
	_ =	shalt  }
.Lfunc_end1:
_tile_overlayer_lowered:
.L_overlay_start_2:
0x67: {  	(tag) =	ssettag $0x2  }
0x68: {  	s0 =	rddreg [dreg:$0x0];
	s2 =	stileid.u32  }
0x69: {  	s1 =	rddreg [dreg:$0x1];
	p0 =	sne.s32 s2, $0x0  }
0x6a: {  	s3 =	rddreg [dreg:$0x2];
	[bflag:$0x3] =	sbarrier.arrive $0xFFFF;
	s2 =	simm.s32 @!p0 $0x1C01  }
0x6b: {  	[timem:s3], [sflag:s2] =	dma.local @!p0 [hbm:s0], s1  }
0x6c: {  	s0 =	simm.s32 @!p0 $0x1  }
0x6d: {  	_ =	swait.ge @!p0 [sflag:s0], s1  }
0x6e: {  	s1 =	ssub.s32 @!p0 $0x0, s1;
	[sflag:s0] =	ssyncset.done @!p0 $0x0  }
0x6f: {  	[sflag:s0] =	ssyncadd.s32 @!p0 s1  }
0x70: {  	[bflag:$0x3] =	sbarrier.arrive $0xFFFF  }
0x71: {  	_ =	shalt  }

</sc_bundles>
